<compile_context>
chip_gen: v7x
topology: tpu7x:2x2x1
jax: 0.10.2.dev20260603
libtpu: 0.0.44.dev20260713+nightly
codegen_flags: <defaults>
</compile_context>

<pallas_src>
import jax
import jax.numpy as jnp
from jax import lax
from jax.experimental import pallas as pl
from jax.experimental.pallas import tpu as pltpu
from jax.experimental.pallas import tpu_sc as plsc

N, M, T, D = 1024, 512, 50, 2
ROW = T * D
PAD = 128
NWORDS = N * M * T * D
NC = 2
NS = 16
NWK = NC * NS
BPW = N // NWK
LANES = 16
_INV_N = 1.0 / N


def _argmin_body(tgt_ref, anc_ref, ids_ref, gi_ref):
    e0 = tgt_ref[0:N, 98:99]
    e1 = tgt_ref[0:N, 99:100]
    a0 = jnp.transpose(anc_ref[:, 98:99])
    a1 = jnp.transpose(anc_ref[:, 99:100])
    d0 = e0 - a0
    d1 = e1 - a1
    dists = d0 * d0 + d1 * d1
    mind = jnp.min(dists, axis=1, keepdims=True)
    col = lax.broadcasted_iota(jnp.int32, (N, M), 1)
    ids = jnp.min(jnp.where(dists <= mind, col, M), axis=1, keepdims=True)
    ids_ref[...] = ids

    rows = lax.broadcasted_iota(jnp.int32, (N, 1), 0)
    colp = lax.broadcasted_iota(jnp.int32, (N, PAD), 1)
    jj = jnp.minimum(colp, ROW - 1)
    t = lax.shift_right_logical(jj, 1)
    d = lax.bitwise_and(jj, 1)
    gi_ref[...] = (rows * (M * ROW) + t * (2 * M) + d * 128
                   + lax.shift_right_logical(ids, 7) * 256
                   + lax.bitwise_and(ids, 127))


def _cls_tm_body(cls_ref, ids_ref, tgt_ref, anc_ref, tm_ref, closs_ref):
    ids = ids_ref[...]
    col = lax.broadcasted_iota(jnp.int32, (N, M), 1)
    onehot = col == ids
    cls = cls_ref[...]
    sel = jnp.sum(jnp.where(onehot, cls, 0.0), axis=1, keepdims=True)
    mx = jnp.max(cls, axis=1, keepdims=True)
    lse = jnp.log(jnp.sum(jnp.exp(cls - mx), axis=1, keepdims=True)) + mx
    closs_ref[0, 0] = jnp.sum(lse - sel) * _INV_N

    asel = jax.lax.dot_general(
        jnp.where(onehot, 1.0, 0.0), anc_ref[...],
        dimension_numbers=(((1,), (0,)), ((), ())),
        preferred_element_type=jnp.float32)
    tm_ref[...] = tgt_ref[0:N, :] - asel


def _loss_body(g_ref, tm_ref, tgt_ref, closs_ref, out_ref):
    diff = g_ref[:, 0:ROW] - tm_ref[...]
    ad = jnp.abs(diff)
    sl1 = jnp.where(ad < 1.0, 0.5 * diff * diff, ad - 0.5)
    msk = tgt_ref[N:2 * N, :]
    val = jnp.where(msk != 0.0, sl1, 0.0)
    out_ref[0, 0] = jnp.sum(val) * _INV_N + closs_ref[0, 0]


def _sc_body(gi_hbm, reg_hbm, out_hbm, gi_v, reg_v, sem_a, sem_b):
    sid = lax.axis_index("s")
    cid = lax.axis_index("c")
    wid = sid * NC + cid
    base = wid * BPW * PAD
    half = BPW // 2 * PAD
    pltpu.sync_copy(gi_hbm.at[pl.ds(base, BPW * PAD)], gi_v)
    cp_a = pltpu.async_copy(reg_hbm.at[gi_v.at[pl.ds(0, half)]],
                            reg_v.at[pl.ds(0, half)], sem_a)
    cp_b = pltpu.async_copy(reg_hbm.at[gi_v.at[pl.ds(half, half)]],
                            reg_v.at[pl.ds(half, half)], sem_b)
    cp_a.wait()
    pltpu.sync_copy(reg_v.at[pl.ds(0, half)], out_hbm.at[pl.ds(base, half)])
    cp_b.wait()
    pltpu.sync_copy(reg_v.at[pl.ds(half, half)],
                    out_hbm.at[pl.ds(base + half, half)])


@jax.jit
def kernel(cls_out, reg_out, targets, anchors):
    tmk = targets.reshape(2 * N, ROW)
    anc2p = anchors.reshape(M, ROW)

    ids, gi = pl.pallas_call(
        _argmin_body,
        out_shape=[
            jax.ShapeDtypeStruct((N, 1), jnp.int32),
            jax.ShapeDtypeStruct((N, PAD), jnp.int32),
        ],
    )(tmk, anc2p)

    regflat = (reg_out.reshape(N, 4, 128, T, D)
               .transpose(0, 3, 1, 4, 2).reshape(NWORDS))

    mesh = plsc.VectorSubcoreMesh(
        core_axis_name="c", subcore_axis_name="s", num_cores=NC)
    sc = pl.kernel(
        _sc_body,
        out_type=jax.ShapeDtypeStruct((N * PAD,), jnp.float32),
        mesh=mesh,
        compiler_params=pltpu.CompilerParams(
            use_tc_tiling_on_sc=False, needs_layout_passes=False),
        scratch_types=[
            pltpu.VMEM((BPW * PAD,), jnp.int32),
            pltpu.VMEM((BPW * PAD,), jnp.float32),
            pltpu.SemaphoreType.DMA,
            pltpu.SemaphoreType.DMA,
        ],
    )
    gathered = sc(gi.reshape(N * PAD), regflat)

    tm, closs = pl.pallas_call(
        _cls_tm_body,
        out_shape=[
            jax.ShapeDtypeStruct((N, ROW), jnp.float32),
            jax.ShapeDtypeStruct((1, 1), jnp.float32),
        ],
        out_specs=[
            pl.BlockSpec(memory_space=pltpu.VMEM),
            pl.BlockSpec(memory_space=pltpu.SMEM),
        ],
    )(cls_out, ids, tmk, anc2p)

    out = pl.pallas_call(
        _loss_body,
        in_specs=[
            pl.BlockSpec(memory_space=pltpu.VMEM),
            pl.BlockSpec(memory_space=pltpu.VMEM),
            pl.BlockSpec(memory_space=pltpu.VMEM),
            pl.BlockSpec(memory_space=pltpu.SMEM),
        ],
        out_shape=jax.ShapeDtypeStruct((1, 1), jnp.float32),
        out_specs=pl.BlockSpec(memory_space=pltpu.SMEM),
    )(gathered.reshape(N, PAD), tm, tmk, closs)
    return out[0, 0]

# --- scband reference (transcript-rebuilt; emitter-appended) ---
"""Pipeline reference for scband-my-loss-27530740367943 (READ-ONLY COPY).

The authoritative reference and input builder live on the scoring server;
editing this copy changes nothing except your own understanding.
"""

import jax, jax.numpy as jnp
import numpy as np

N, M, T, D = 1024, 512, 50, 2

def setup_inputs(seed: int = 0) -> dict:
    key = jax.random.key(seed)
    k1, k2, k3, k4 = jax.random.split(key, 4)
    cls_out = jax.random.normal(k1, (N, M), dtype=jnp.float32)
    reg_out = jax.random.normal(k2, (N, M, T, D), dtype=jnp.float32)
    targets = jax.random.uniform(k3, (2, N, T, D), dtype=jnp.float32)
    anchors = jax.random.normal(k4, (M, T, D), dtype=jnp.float32)
    return {"cls_out": cls_out, "reg_out": reg_out, "targets": targets, "anchors": anchors}

def reference(cls_out, reg_out, targets, anchors):
    tgt = targets[0]
    mask = targets[1].astype(bool)
    n = cls_out.shape[0]
    # mu = reg_out + anchors (broadcast over batch)
    mu = reg_out + anchors[None]
    # nearest-anchor retrieval by endpoint distance
    end_points = tgt[:, -1:, :]                      # [N, 1, D]
    dists = jnp.sum((end_points - anchors[:, -1]) ** 2, axis=-1)  # [N, M]
    ids = jnp.argmin(dists, axis=1)                  # [N]
    # classification loss: cross entropy against nearest-anchor ids
    logp = jax.nn.log_softmax(cls_out, axis=-1)
    cls_loss = -jnp.mean(jnp.take_along_axis(logp, ids[:, None], axis=1))
    # gather selected trajectories
    mu_sel = mu[jnp.arange(n), ids]                  # [N, T, D]
    # smooth l1 (beta=1.0), masked, reduction='none' then sum / N
    diff = mu_sel - tgt
    ad = jnp.abs(diff)
    sl1 = jnp.where(ad < 1.0, 0.5 * diff * diff, ad - 0.5)
    reg_loss = jnp.sum(jnp.where(mask, sl1, 0.0)) / n
    return cls_loss + reg_loss

if __name__ == "__main__":
    import jax
    _d = setup_inputs()
    print(jax.jit(kernel)(*tuple(_d.values())))

</pallas_src>

<mosaic_0001>
#map = affine_map<(d0, d1) -> (0)>
module attributes {stable_mosaic.version = 14 : i64} {
  func.func @_sc_body(%arg0: i32, %arg1: i32, %arg2: memref<131072xi32, #tpu.memory_space<hbm>>, %arg3: memref<52428800xf32, #tpu.memory_space<hbm>>, %arg4: memref<131072xf32, #tpu.memory_space<hbm>>, %arg5: memref<4096xi32, #tpu.memory_space<vmem>>, %arg6: memref<4096xf32, #tpu.memory_space<vmem>>, %arg7: memref<!tpu.dma_semaphore, #tpu.memory_space<semaphore_mem>>, %arg8: memref<!tpu.dma_semaphore, #tpu.memory_space<semaphore_mem>>) attributes {dimension_semantics = [#tpu.dimension_semantics<core_parallel>, #tpu.dimension_semantics<subcore_parallel>], iteration_bounds = array<i64: 2, 16>, scalar_prefetch = 0 : i64, scratch_operands = 4 : i64, tpu.core_type = #tpu.core_type<sc_vector_subcore>, window_params = [{transform_indices = #map}, {transform_indices = #map}, {transform_indices = #map}]} {
    %mul3A = arith.constant 2 : i32
    %mul3A_0 = arith.muli %arg1, %mul3A : i32
    %add3A = arith.addi %mul3A_0, %arg0 : i32
    %mul3A_1 = arith.constant 32 : i32
    %mul3A_2 = arith.muli %add3A, %mul3A_1 : i32
    %mul3A_3 = arith.constant 128 : i32
    %mul3A_4 = arith.muli %mul3A_2, %mul3A_3 : i32
    "tpu.region"() ({
      %run_scoped3A = tpu.sem_alloc : memref<!tpu.dma_semaphore, #tpu.memory_space<semaphore_mem>>
      %dma_start3A_29 = tpu.memref_slice %arg2[%mul3A_4] : memref<131072xi32, #tpu.memory_space<hbm>> -> memref<4096xi32, #tpu.memory_space<hbm>>
      %dma_start3A_30 = tpu.memref_slice %arg2[%mul3A_4] : memref<131072xi32, #tpu.memory_space<hbm>> -> memref<4096xi32, #tpu.memory_space<hbm>>
      tpu.enqueue_dma source(%dma_start3A_30 : memref<4096xi32, #tpu.memory_space<hbm>>) target(%arg5 : memref<4096xi32, #tpu.memory_space<vmem>>) target_semaphore(%run_scoped3A : memref<!tpu.dma_semaphore, #tpu.memory_space<semaphore_mem>>)
      %dma_wait3A_31 = tpu.memref_slice %arg2[%mul3A_4] : memref<131072xi32, #tpu.memory_space<hbm>> -> memref<4096xi32, #tpu.memory_space<hbm>>
      %dma_wait3A_32 = tpu.memref_slice %arg2[%mul3A_4] : memref<131072xi32, #tpu.memory_space<hbm>> -> memref<4096xi32, #tpu.memory_space<hbm>>
      tpu.wait_dma2 semaphore(%run_scoped3A : memref<!tpu.dma_semaphore, #tpu.memory_space<semaphore_mem>>) src(%dma_wait3A_32 : memref<4096xi32, #tpu.memory_space<hbm>>) dst(%arg5 : memref<4096xi32, #tpu.memory_space<vmem>>)
      tpu.yield
    }) : () -> ()
    %dma_start3A = arith.constant 0 : i32
    %dma_start3A_5 = tpu.memref_slice %arg6[%dma_start3A] : memref<4096xf32, #tpu.memory_space<vmem>> -> memref<2048xf32, #tpu.memory_space<vmem>>
    %dma_start3A_6 = arith.constant 0 : i32
    %dma_start3A_7 = tpu.memref_slice %arg5[%dma_start3A_6] : memref<4096xi32, #tpu.memory_space<vmem>> -> memref<2048xi32, #tpu.memory_space<vmem>>
    %dma_start3A_8 = arith.constant 0 : i32
    %dma_start3A_9 = tpu.memref_slice %arg3[%dma_start3A_8] : memref<52428800xf32, #tpu.memory_space<hbm>> -> memref<52428800xf32, #tpu.memory_space<hbm>>
    tpu.enqueue_indirect_dma source(%dma_start3A_9 : memref<52428800xf32, #tpu.memory_space<hbm>>) target(%dma_start3A_5 : memref<2048xf32, #tpu.memory_space<vmem>>) offsets(%dma_start3A_7 : memref<2048xi32, #tpu.memory_space<vmem>>) semaphore(%arg7 : memref<!tpu.dma_semaphore, #tpu.memory_space<semaphore_mem>>)
    %dma_start3A_10 = arith.constant 2048 : i32
    %dma_start3A_11 = tpu.memref_slice %arg6[%dma_start3A_10] : memref<4096xf32, #tpu.memory_space<vmem>> -> memref<2048xf32, #tpu.memory_space<vmem>>
    %dma_start3A_12 = arith.constant 2048 : i32
    %dma_start3A_13 = tpu.memref_slice %arg5[%dma_start3A_12] : memref<4096xi32, #tpu.memory_space<vmem>> -> memref<2048xi32, #tpu.memory_space<vmem>>
    %dma_start3A_14 = arith.constant 0 : i32
    %dma_start3A_15 = tpu.memref_slice %arg3[%dma_start3A_14] : memref<52428800xf32, #tpu.memory_space<hbm>> -> memref<52428800xf32, #tpu.memory_space<hbm>>
    tpu.enqueue_indirect_dma source(%dma_start3A_15 : memref<52428800xf32, #tpu.memory_space<hbm>>) target(%dma_start3A_11 : memref<2048xf32, #tpu.memory_space<vmem>>) offsets(%dma_start3A_13 : memref<2048xi32, #tpu.memory_space<vmem>>) semaphore(%arg8 : memref<!tpu.dma_semaphore, #tpu.memory_space<semaphore_mem>>)
    %dma_wait3A = arith.constant 0 : i32
    %dma_wait3A_16 = tpu.memref_slice %arg6[%dma_wait3A] : memref<4096xf32, #tpu.memory_space<vmem>> -> memref<2048xf32, #tpu.memory_space<vmem>>
    %dma_wait3A_17 = arith.constant 0 : i32
    %dma_wait3A_18 = tpu.memref_slice %arg5[%dma_wait3A_17] : memref<4096xi32, #tpu.memory_space<vmem>> -> memref<2048xi32, #tpu.memory_space<vmem>>
    %dma_wait3A_19 = arith.constant 0 : i32
    %dma_wait3A_20 = tpu.memref_slice %arg3[%dma_wait3A_19] : memref<52428800xf32, #tpu.memory_space<hbm>> -> memref<52428800xf32, #tpu.memory_space<hbm>>
    tpu.wait_indirect_dma semaphore(%arg7 : memref<!tpu.dma_semaphore, #tpu.memory_space<semaphore_mem>>) src(%dma_wait3A_20 : memref<52428800xf32, #tpu.memory_space<hbm>>) dst(%dma_wait3A_16 : memref<2048xf32, #tpu.memory_space<vmem>>)
    "tpu.region"() ({
      %run_scoped3A = tpu.sem_alloc : memref<!tpu.dma_semaphore, #tpu.memory_space<semaphore_mem>>
      %dma_start3A_29 = arith.constant 0 : i32
      %dma_start3A_30 = tpu.memref_slice %arg6[%dma_start3A_29] : memref<4096xf32, #tpu.memory_space<vmem>> -> memref<2048xf32, #tpu.memory_space<vmem>>
      %dma_start3A_31 = tpu.memref_slice %arg4[%mul3A_4] : memref<131072xf32, #tpu.memory_space<hbm>> -> memref<2048xf32, #tpu.memory_space<hbm>>
      %dma_start3A_32 = tpu.memref_slice %arg4[%mul3A_4] : memref<131072xf32, #tpu.memory_space<hbm>> -> memref<2048xf32, #tpu.memory_space<hbm>>
      %dma_start3A_33 = arith.constant 0 : i32
      %dma_start3A_34 = tpu.memref_slice %arg6[%dma_start3A_33] : memref<4096xf32, #tpu.memory_space<vmem>> -> memref<2048xf32, #tpu.memory_space<vmem>>
      tpu.enqueue_dma source(%dma_start3A_34 : memref<2048xf32, #tpu.memory_space<vmem>>) target(%dma_start3A_32 : memref<2048xf32, #tpu.memory_space<hbm>>) target_semaphore(%run_scoped3A : memref<!tpu.dma_semaphore, #tpu.memory_space<semaphore_mem>>)
      %dma_wait3A_35 = arith.constant 0 : i32
      %dma_wait3A_36 = tpu.memref_slice %arg6[%dma_wait3A_35] : memref<4096xf32, #tpu.memory_space<vmem>> -> memref<2048xf32, #tpu.memory_space<vmem>>
      %dma_wait3A_37 = tpu.memref_slice %arg4[%mul3A_4] : memref<131072xf32, #tpu.memory_space<hbm>> -> memref<2048xf32, #tpu.memory_space<hbm>>
      %dma_wait3A_38 = tpu.memref_slice %arg4[%mul3A_4] : memref<131072xf32, #tpu.memory_space<hbm>> -> memref<2048xf32, #tpu.memory_space<hbm>>
      %dma_wait3A_39 = arith.constant 0 : i32
      %dma_wait3A_40 = tpu.memref_slice %arg6[%dma_wait3A_39] : memref<4096xf32, #tpu.memory_space<vmem>> -> memref<2048xf32, #tpu.memory_space<vmem>>
      tpu.wait_dma2 semaphore(%run_scoped3A : memref<!tpu.dma_semaphore, #tpu.memory_space<semaphore_mem>>) src(%dma_wait3A_40 : memref<2048xf32, #tpu.memory_space<vmem>>) dst(%dma_wait3A_38 : memref<2048xf32, #tpu.memory_space<hbm>>)
      tpu.yield
    }) : () -> ()
    %dma_wait3A_21 = arith.constant 2048 : i32
    %dma_wait3A_22 = tpu.memref_slice %arg6[%dma_wait3A_21] : memref<4096xf32, #tpu.memory_space<vmem>> -> memref<2048xf32, #tpu.memory_space<vmem>>
    %dma_wait3A_23 = arith.constant 2048 : i32
    %dma_wait3A_24 = tpu.memref_slice %arg5[%dma_wait3A_23] : memref<4096xi32, #tpu.memory_space<vmem>> -> memref<2048xi32, #tpu.memory_space<vmem>>
    %dma_wait3A_25 = arith.constant 0 : i32
    %dma_wait3A_26 = tpu.memref_slice %arg3[%dma_wait3A_25] : memref<52428800xf32, #tpu.memory_space<hbm>> -> memref<52428800xf32, #tpu.memory_space<hbm>>
    tpu.wait_indirect_dma semaphore(%arg8 : memref<!tpu.dma_semaphore, #tpu.memory_space<semaphore_mem>>) src(%dma_wait3A_26 : memref<52428800xf32, #tpu.memory_space<hbm>>) dst(%dma_wait3A_22 : memref<2048xf32, #tpu.memory_space<vmem>>)
    %add3A_27 = arith.constant 2048 : i32
    %add3A_28 = arith.addi %mul3A_4, %add3A_27 : i32
    "tpu.region"() ({
      %run_scoped3A = tpu.sem_alloc : memref<!tpu.dma_semaphore, #tpu.memory_space<semaphore_mem>>
      %dma_start3A_29 = arith.constant 2048 : i32
      %dma_start3A_30 = tpu.memref_slice %arg6[%dma_start3A_29] : memref<4096xf32, #tpu.memory_space<vmem>> -> memref<2048xf32, #tpu.memory_space<vmem>>
      %dma_start3A_31 = tpu.memref_slice %arg4[%add3A_28] : memref<131072xf32, #tpu.memory_space<hbm>> -> memref<2048xf32, #tpu.memory_space<hbm>>
      %dma_start3A_32 = tpu.memref_slice %arg4[%add3A_28] : memref<131072xf32, #tpu.memory_space<hbm>> -> memref<2048xf32, #tpu.memory_space<hbm>>
      %dma_start3A_33 = arith.constant 2048 : i32
      %dma_start3A_34 = tpu.memref_slice %arg6[%dma_start3A_33] : memref<4096xf32, #tpu.memory_space<vmem>> -> memref<2048xf32, #tpu.memory_space<vmem>>
      tpu.enqueue_dma source(%dma_start3A_34 : memref<2048xf32, #tpu.memory_space<vmem>>) target(%dma_start3A_32 : memref<2048xf32, #tpu.memory_space<hbm>>) target_semaphore(%run_scoped3A : memref<!tpu.dma_semaphore, #tpu.memory_space<semaphore_mem>>)
      %dma_wait3A_35 = arith.constant 2048 : i32
      %dma_wait3A_36 = tpu.memref_slice %arg6[%dma_wait3A_35] : memref<4096xf32, #tpu.memory_space<vmem>> -> memref<2048xf32, #tpu.memory_space<vmem>>
      %dma_wait3A_37 = tpu.memref_slice %arg4[%add3A_28] : memref<131072xf32, #tpu.memory_space<hbm>> -> memref<2048xf32, #tpu.memory_space<hbm>>
      %dma_wait3A_38 = tpu.memref_slice %arg4[%add3A_28] : memref<131072xf32, #tpu.memory_space<hbm>> -> memref<2048xf32, #tpu.memory_space<hbm>>
      %dma_wait3A_39 = arith.constant 2048 : i32
      %dma_wait3A_40 = tpu.memref_slice %arg6[%dma_wait3A_39] : memref<4096xf32, #tpu.memory_space<vmem>> -> memref<2048xf32, #tpu.memory_space<vmem>>
      tpu.wait_dma2 semaphore(%run_scoped3A : memref<!tpu.dma_semaphore, #tpu.memory_space<semaphore_mem>>) src(%dma_wait3A_40 : memref<2048xf32, #tpu.memory_space<vmem>>) dst(%dma_wait3A_38 : memref<2048xf32, #tpu.memory_space<hbm>>)
      tpu.yield
    }) : () -> ()
    return
  }
}

module attributes {stable_mosaic.version = 14 : i64} {
  func.func @_argmin_body(%arg0: memref<2048x100xf32, #tpu.memory_space<vmem>>, %arg1: memref<512x100xf32, #tpu.memory_space<vmem>>, %arg2: memref<1024x1xi32, #tpu.memory_space<vmem>>, %arg3: memref<1024x128xi32, #tpu.memory_space<vmem>>) attributes {dimension_semantics = [], scalar_prefetch = 0 : i64, scratch_operands = 0 : i64, tpu.core_type = #tpu.core_type<tc>} {
    %get3A = arith.constant 0 : index
    %get3A_0 = arith.constant 98 : index
    %get3A_1 = vector.load %arg0[%get3A, %get3A_0] : memref<2048x100xf32, #tpu.memory_space<vmem>>, vector<1024x1xf32>
    %get3A_2 = arith.constant 0 : index
    %get3A_3 = arith.constant 99 : index
    %get3A_4 = vector.load %arg0[%get3A_2, %get3A_3] : memref<2048x100xf32, #tpu.memory_space<vmem>>, vector<1024x1xf32>
    %get3A_5 = arith.constant 0 : index
    %get3A_6 = arith.constant 98 : index
    %get3A_7 = vector.load %arg1[%get3A_5, %get3A_6] : memref<512x100xf32, #tpu.memory_space<vmem>>, vector<512x1xf32>
    %transpose3A = tpu.transpose %get3A_7, [1, 0] : vector<512x1xf32> -> vector<1x512xf32>
    %get3A_8 = arith.constant 0 : index
    %get3A_9 = arith.constant 99 : index
    %get3A_10 = vector.load %arg1[%get3A_8, %get3A_9] : memref<512x100xf32, #tpu.memory_space<vmem>>, vector<512x1xf32>
    %transpose3A_11 = tpu.transpose %get3A_10, [1, 0] : vector<512x1xf32> -> vector<1x512xf32>
    %sub3A = vector.broadcast %get3A_1 : vector<1024x1xf32> to vector<1024x512xf32>
    %sub3A_12 = vector.broadcast %transpose3A : vector<1x512xf32> to vector<1024x512xf32>
    %sub3A_13 = arith.subf %sub3A, %sub3A_12 : vector<1024x512xf32>
    %sub3A_14 = vector.broadcast %get3A_4 : vector<1024x1xf32> to vector<1024x512xf32>
    %sub3A_15 = vector.broadcast %transpose3A_11 : vector<1x512xf32> to vector<1024x512xf32>
    %sub3A_16 = arith.subf %sub3A_14, %sub3A_15 : vector<1024x512xf32>
    %mul3A = arith.mulf %sub3A_13, %sub3A_13 : vector<1024x512xf32>
    %mul3A_17 = arith.mulf %sub3A_16, %sub3A_16 : vector<1024x512xf32>
    %add3A = arith.addf %mul3A, %mul3A_17 : vector<1024x512xf32>
    %reduce_min3A = arith.constant dense<0x7F800000> : vector<1024xf32>
    %reduce_min3A_18 = vector.multi_reduction <minimumf>, %add3A, %reduce_min3A [1] : vector<1024x512xf32> to vector<1024xf32>
    %broadcast_in_dim3A = vector.shape_cast %reduce_min3A_18 : vector<1024xf32> to vector<1024x1xf32>
    %iota3A = tpu.iota {dimensions = array<i32: 1>} : vector<1024x512xi32>
    %le3A = vector.broadcast %broadcast_in_dim3A : vector<1024x1xf32> to vector<1024x512xf32>
    %le3A_19 = arith.cmpf ole, %add3A, %le3A : vector<1024x512xf32>
    %jit3A = arith.constant 512 : i32
    %broadcast_in_dim3A_20 = vector.broadcast %jit3A : i32 to vector<1024x512xi32>
    %select_n3A = arith.select %le3A_19, %iota3A, %broadcast_in_dim3A_20 : vector<1024x512xi1>, vector<1024x512xi32>
    %reduce_min3A_21 = arith.constant dense<2147483647> : vector<1024xi32>
    %reduce_min3A_22 = vector.multi_reduction <minsi>, %select_n3A, %reduce_min3A_21 [1] : vector<1024x512xi32> to vector<1024xi32>
    %broadcast_in_dim3A_23 = vector.shape_cast %reduce_min3A_22 : vector<1024xi32> to vector<1024x1xi32>
    %swap3A = arith.constant 0 : index
    %swap3A_24 = arith.constant 0 : index
    %swap3A_25 = vector.load %arg2[%swap3A, %swap3A_24] : memref<1024x1xi32, #tpu.memory_space<vmem>>, vector<1024x1xi32>
    tpu.vector_store %arg2[%swap3A, %swap3A_24], %broadcast_in_dim3A_23 {strides = array<i32>} : memref<1024x1xi32, #tpu.memory_space<vmem>>, vector<1024x1xi32>,
    %iota3A_26 = tpu.iota {dimensions = array<i32: 0>} : vector<1024x1xi32>
    %iota3A_27 = tpu.iota {dimensions = array<i32: 1>} : vector<1024x128xi32>
    %min3A = arith.constant 99 : i32
    %min3A_28 = vector.broadcast %min3A : i32 to vector<1024x128xi32>
    %min3A_29 = arith.minsi %iota3A_27, %min3A_28 : vector<1024x128xi32>
    %shift_right_logical3A = arith.constant 1 : i32
    %shift_right_logical3A_30 = vector.broadcast %shift_right_logical3A : i32 to vector<1024x128xi32>
    %shift_right_logical3A_31 = arith.shrui %min3A_29, %shift_right_logical3A_30 : vector<1024x128xi32>
    %and3A = arith.constant 1 : i32
    %and3A_32 = vector.broadcast %and3A : i32 to vector<1024x128xi32>
    %and3A_33 = arith.andi %min3A_29, %and3A_32 : vector<1024x128xi32>
    %mul3A_34 = arith.constant 51200 : i32
    %mul3A_35 = vector.broadcast %mul3A_34 : i32 to vector<1024x1xi32>
    %mul3A_36 = arith.muli %iota3A_26, %mul3A_35 : vector<1024x1xi32>
    %mul3A_37 = arith.constant 1024 : i32
    %mul3A_38 = vector.broadcast %mul3A_37 : i32 to vector<1024x128xi32>
    %mul3A_39 = arith.muli %shift_right_logical3A_31, %mul3A_38 : vector<1024x128xi32>
    %add3A_40 = vector.broadcast %mul3A_36 : vector<1024x1xi32> to vector<1024x128xi32>
    %add3A_41 = arith.addi %add3A_40, %mul3A_39 : vector<1024x128xi32>
    %mul3A_42 = arith.constant 128 : i32
    %mul3A_43 = vector.broadcast %mul3A_42 : i32 to vector<1024x128xi32>
    %mul3A_44 = arith.muli %and3A_33, %mul3A_43 : vector<1024x128xi32>
    %add3A_45 = arith.addi %add3A_41, %mul3A_44 : vector<1024x128xi32>
    %shift_right_logical3A_46 = arith.constant 7 : i32
    %shift_right_logical3A_47 = vector.broadcast %shift_right_logical3A_46 : i32 to vector<1024x1xi32>
    %shift_right_logical3A_48 = arith.shrui %broadcast_in_dim3A_23, %shift_right_logical3A_47 : vector<1024x1xi32>
    %mul3A_49 = arith.constant 256 : i32
    %mul3A_50 = vector.broadcast %mul3A_49 : i32 to vector<1024x1xi32>
    %mul3A_51 = arith.muli %shift_right_logical3A_48, %mul3A_50 : vector<1024x1xi32>
    %add3A_52 = vector.broadcast %mul3A_51 : vector<1024x1xi32> to vector<1024x128xi32>
    %add3A_53 = arith.addi %add3A_45, %add3A_52 : vector<1024x128xi32>
    %and3A_54 = arith.constant 127 : i32
    %and3A_55 = vector.broadcast %and3A_54 : i32 to vector<1024x1xi32>
    %and3A_56 = arith.andi %broadcast_in_dim3A_23, %and3A_55 : vector<1024x1xi32>
    %add3A_57 = vector.broadcast %and3A_56 : vector<1024x1xi32> to vector<1024x128xi32>
    %add3A_58 = arith.addi %add3A_53, %add3A_57 : vector<1024x128xi32>
    %swap3A_59 = arith.constant 0 : index
    %swap3A_60 = arith.constant 0 : index
    %swap3A_61 = vector.load %arg3[%swap3A_59, %swap3A_60] : memref<1024x128xi32, #tpu.memory_space<vmem>>, vector<1024x128xi32>
    tpu.vector_store %arg3[%swap3A_59, %swap3A_60], %add3A_58 {strides = array<i32>} : memref<1024x128xi32, #tpu.memory_space<vmem>>, vector<1024x128xi32>,
    return
  }
}

module attributes {stable_mosaic.version = 14 : i64} {
  func.func @_cls_tm_body(%arg0: memref<1024x512xf32, #tpu.memory_space<vmem>>, %arg1: memref<1024x1xi32, #tpu.memory_space<vmem>>, %arg2: memref<2048x100xf32, #tpu.memory_space<vmem>>, %arg3: memref<512x100xf32, #tpu.memory_space<vmem>>, %arg4: memref<1024x100xf32, #tpu.memory_space<vmem>>, %arg5: memref<1x1xf32, #tpu.memory_space<smem>>) attributes {dimension_semantics = [], scalar_prefetch = 0 : i64, scratch_operands = 0 : i64, tpu.core_type = #tpu.core_type<tc>} {
    %get3A = arith.constant 0 : index
    %get3A_0 = arith.constant 0 : index
    %get3A_1 = vector.load %arg1[%get3A, %get3A_0] : memref<1024x1xi32, #tpu.memory_space<vmem>>, vector<1024x1xi32>
    %iota3A = tpu.iota {dimensions = array<i32: 1>} : vector<1024x512xi32>
    %eq3A = vector.broadcast %get3A_1 : vector<1024x1xi32> to vector<1024x512xi32>
    %eq3A_2 = arith.cmpi eq, %iota3A, %eq3A : vector<1024x512xi32>
    %get3A_3 = arith.constant 0 : index
    %get3A_4 = arith.constant 0 : index
    %get3A_5 = vector.load %arg0[%get3A_3, %get3A_4] : memref<1024x512xf32, #tpu.memory_space<vmem>>, vector<1024x512xf32>
    %jit3A = arith.constant 0.000000e+00 : f32
    %broadcast_in_dim3A = vector.broadcast %jit3A : f32 to vector<1024x512xf32>
    %select_n3A = arith.select %eq3A_2, %get3A_5, %broadcast_in_dim3A : vector<1024x512xi1>, vector<1024x512xf32>
    %reduce_sum3A = arith.constant dense<0.000000e+00> : vector<1024xf32>
    %reduce_sum3A_6 = vector.multi_reduction <add>, %select_n3A, %reduce_sum3A [1] : vector<1024x512xf32> to vector<1024xf32>
    %broadcast_in_dim3A_7 = vector.shape_cast %reduce_sum3A_6 : vector<1024xf32> to vector<1024x1xf32>
    %reduce_max3A = arith.constant dense<0xFF800000> : vector<1024xf32>
    %reduce_max3A_8 = vector.multi_reduction <maximumf>, %get3A_5, %reduce_max3A [1] : vector<1024x512xf32> to vector<1024xf32>
    %broadcast_in_dim3A_9 = vector.shape_cast %reduce_max3A_8 : vector<1024xf32> to vector<1024x1xf32>
    %sub3A = vector.broadcast %broadcast_in_dim3A_9 : vector<1024x1xf32> to vector<1024x512xf32>
    %sub3A_10 = arith.subf %get3A_5, %sub3A : vector<1024x512xf32>
    %exp3A = math.exp %sub3A_10 : vector<1024x512xf32>
    %reduce_sum3A_11 = arith.constant dense<0.000000e+00> : vector<1024xf32>
    %reduce_sum3A_12 = vector.multi_reduction <add>, %exp3A, %reduce_sum3A_11 [1] : vector<1024x512xf32> to vector<1024xf32>
    %broadcast_in_dim3A_13 = vector.shape_cast %reduce_sum3A_12 : vector<1024xf32> to vector<1024x1xf32>
    %log3A = math.log %broadcast_in_dim3A_13 : vector<1024x1xf32>
    %add3A = arith.addf %log3A, %broadcast_in_dim3A_9 : vector<1024x1xf32>
    %sub3A_14 = arith.subf %add3A, %broadcast_in_dim3A_7 : vector<1024x1xf32>
    %reduce_sum3A_15 = vector.shape_cast %sub3A_14 : vector<1024x1xf32> to vector<1x1024x1xf32>
    %reduce_sum3A_16 = arith.constant dense<0.000000e+00> : vector<1xf32>
    %reduce_sum3A_17 = vector.multi_reduction <add>, %reduce_sum3A_15, %reduce_sum3A_16 [1, 2] : vector<1x1024x1xf32> to vector<1xf32>
    %reduce_sum3A_18 = vector.shape_cast %reduce_sum3A_17 : vector<1xf32> to vector<1x1x1xf32>
    %reduce_sum3A_19 = vector.extract %reduce_sum3A_18[0, 0, 0] : f32 from vector<1x1x1xf32>
    %mul3A = arith.constant 9.765625E-4 : f32
    %mul3A_20 = arith.mulf %reduce_sum3A_19, %mul3A : f32
    %swap3A = arith.constant 0 : index
    %swap3A_21 = arith.constant 0 : index
    %swap3A_22 = memref.load %arg5[%swap3A, %swap3A_21] : memref<1x1xf32, #tpu.memory_space<smem>>
    memref.store %mul3A_20, %arg5[%swap3A, %swap3A_21] : memref<1x1xf32, #tpu.memory_space<smem>>
    %jit3A_23 = arith.constant 1.000000e+00 : f32
    %jit3A_24 = arith.constant 0.000000e+00 : f32
    %broadcast_in_dim3A_25 = vector.broadcast %jit3A_23 : f32 to vector<1024x512xf32>
    %broadcast_in_dim3A_26 = vector.broadcast %jit3A_24 : f32 to vector<1024x512xf32>
    %select_n3A_27 = arith.select %eq3A_2, %broadcast_in_dim3A_25, %broadcast_in_dim3A_26 : vector<1024x512xi1>, vector<1024x512xf32>
    %get3A_28 = arith.constant 0 : index
    %get3A_29 = arith.constant 0 : index
    %get3A_30 = vector.load %arg3[%get3A_28, %get3A_29] : memref<512x100xf32, #tpu.memory_space<vmem>>, vector<512x100xf32>
    %dot_general3A = arith.constant dense<0.000000e+00> : vector<1024x100xf32>
    %dot_general3A_31 = tpu.matmul %select_n3A_27, %get3A_30, %dot_general3A {dimension_numbers = #tpu.dot_dimension_numbers<[1], [0], [0], [1], [0, 0, 1, 1], [], []>, transpose_lhs_hint = false} : vector<1024x512xf32>, vector<512x100xf32>, vector<1024x100xf32> -> vector<1024x100xf32>
    %get3A_32 = arith.constant 0 : index
    %get3A_33 = arith.constant 0 : index
    %get3A_34 = vector.load %arg2[%get3A_32, %get3A_33] : memref<2048x100xf32, #tpu.memory_space<vmem>>, vector<1024x100xf32>
    %sub3A_35 = arith.subf %get3A_34, %dot_general3A_31 : vector<1024x100xf32>
    %swap3A_36 = arith.constant 0 : index
    %swap3A_37 = arith.constant 0 : index
    %swap3A_38 = vector.load %arg4[%swap3A_36, %swap3A_37] : memref<1024x100xf32, #tpu.memory_space<vmem>>, vector<1024x100xf32>
    tpu.vector_store %arg4[%swap3A_36, %swap3A_37], %sub3A_35 {strides = array<i32>} : memref<1024x100xf32, #tpu.memory_space<vmem>>, vector<1024x100xf32>,
    return
  }
}

module attributes {stable_mosaic.version = 14 : i64} {
  func.func @_loss_body(%arg0: memref<1024x128xf32, #tpu.memory_space<vmem>>, %arg1: memref<1024x100xf32, #tpu.memory_space<vmem>>, %arg2: memref<2048x100xf32, #tpu.memory_space<vmem>>, %arg3: memref<1x1xf32, #tpu.memory_space<smem>>, %arg4: memref<1x1xf32, #tpu.memory_space<smem>>) attributes {dimension_semantics = [], scalar_prefetch = 0 : i64, scratch_operands = 0 : i64, tpu.core_type = #tpu.core_type<tc>} {
    %get3A = arith.constant 0 : index
    %get3A_0 = arith.constant 0 : index
    %get3A_1 = vector.load %arg0[%get3A, %get3A_0] : memref<1024x128xf32, #tpu.memory_space<vmem>>, vector<1024x100xf32>
    %get3A_2 = arith.constant 0 : index
    %get3A_3 = arith.constant 0 : index
    %get3A_4 = vector.load %arg1[%get3A_2, %get3A_3] : memref<1024x100xf32, #tpu.memory_space<vmem>>, vector<1024x100xf32>
    %sub3A = arith.subf %get3A_1, %get3A_4 : vector<1024x100xf32>
    %abs3A = math.absf %sub3A : vector<1024x100xf32>
    %lt3A = arith.constant 1.000000e+00 : f32
    %lt3A_5 = vector.broadcast %lt3A : f32 to vector<1024x100xf32>
    %lt3A_6 = arith.cmpf olt, %abs3A, %lt3A_5 : vector<1024x100xf32>
    %mul3A = arith.constant 5.000000e-01 : f32
    %mul3A_7 = vector.broadcast %mul3A : f32 to vector<1024x100xf32>
    %mul3A_8 = arith.mulf %mul3A_7, %sub3A : vector<1024x100xf32>
    %mul3A_9 = arith.mulf %mul3A_8, %sub3A : vector<1024x100xf32>
    %sub3A_10 = arith.constant 5.000000e-01 : f32
    %sub3A_11 = vector.broadcast %sub3A_10 : f32 to vector<1024x100xf32>
    %sub3A_12 = arith.subf %abs3A, %sub3A_11 : vector<1024x100xf32>
    %select_n3A = arith.select %lt3A_6, %mul3A_9, %sub3A_12 : vector<1024x100xi1>, vector<1024x100xf32>
    %get3A_13 = arith.constant 1024 : index
    %get3A_14 = arith.constant 0 : index
    %get3A_15 = vector.load %arg2[%get3A_13, %get3A_14] : memref<2048x100xf32, #tpu.memory_space<vmem>>, vector<1024x100xf32>
    %ne3A = arith.constant 0.000000e+00 : f32
    %ne3A_16 = vector.broadcast %ne3A : f32 to vector<1024x100xf32>
    %ne3A_17 = arith.cmpf one, %get3A_15, %ne3A_16 : vector<1024x100xf32>
    %jit3A = arith.constant 0.000000e+00 : f32
    %broadcast_in_dim3A = vector.broadcast %jit3A : f32 to vector<1024x100xf32>
    %select_n3A_18 = arith.select %ne3A_17, %select_n3A, %broadcast_in_dim3A : vector<1024x100xi1>, vector<1024x100xf32>
    %reduce_sum3A = vector.shape_cast %select_n3A_18 : vector<1024x100xf32> to vector<1x1024x100xf32>
    %reduce_sum3A_19 = arith.constant dense<0.000000e+00> : vector<1xf32>
    %reduce_sum3A_20 = vector.multi_reduction <add>, %reduce_sum3A, %reduce_sum3A_19 [1, 2] : vector<1x1024x100xf32> to vector<1xf32>
    %reduce_sum3A_21 = vector.shape_cast %reduce_sum3A_20 : vector<1xf32> to vector<1x1x1xf32>
    %reduce_sum3A_22 = vector.extract %reduce_sum3A_21[0, 0, 0] : f32 from vector<1x1x1xf32>
    %mul3A_23 = arith.constant 9.765625E-4 : f32
    %mul3A_24 = arith.mulf %reduce_sum3A_22, %mul3A_23 : f32
    %get3A_25 = arith.constant 0 : index
    %get3A_26 = arith.constant 0 : index
    %get3A_27 = memref.load %arg3[%get3A_25, %get3A_26] : memref<1x1xf32, #tpu.memory_space<smem>>
    %add3A = arith.addf %mul3A_24, %get3A_27 : f32
    %swap3A = arith.constant 0 : index
    %swap3A_28 = arith.constant 0 : index
    %swap3A_29 = memref.load %arg4[%swap3A, %swap3A_28] : memref<1x1xf32, #tpu.memory_space<smem>>
    memref.store %add3A, %arg4[%swap3A, %swap3A_28] : memref<1x1xf32, #tpu.memory_space<smem>>
    return
  }
}

</mosaic_0001>

<sc_bundles>
// kernel: kernel.6.cloned.1.call-start
scs
__scs_entry_jumppad:
0x0: {  	(pc) =	sbr.rel $0x88, $3  }
0x1: {  	(tag) =	ssettag $0x0;
	lr =	simm.s32 $0x1  }
0x2: {  	[smem:$0x3F9D] =	sst lr;
	_ =	strace $0xD0000000  }
0x3: {  	_ = 	snop  }
0x4: {  	_ = 	snop  }
0x5: {  	_ = 	snop  }
0x6: {  	_ = 	snop  }
0x7: {  	_ = 	snop  }
__scs_overlays_trampoline_lowered:
0x8: {  	[smem:$0x3FAC] =	sst s0  }
0x9: {  	[smem:$0x3FAD] =	sst s1  }
0xa: {  	[smem:$0x3FAE] =	sst s2  }
0xb: {  	[smem:$0x3FAF] =	sst s3  }
0xc: {  	[smem:$0x3FB0] =	sst s4  }
0xd: {  	[smem:$0x3FB1] =	sst s5  }
0xe: {  	[smem:$0x3FB2] =	sst s6  }
0xf: {  	[smem:$0x3FB3] =	sst s7  }
0x10: {  	[smem:$0x3FB4] =	sst s8  }
0x11: {  	[smem:$0x3FB5] =	sst s9;
	s0 =	simm.s32 @!p0 $0x0  }
0x12: {  	s1 =	sld [smem:$0x3F9B];
	s0 =	simm.s32 @p0 $0x1  }
0x13: {  	[smem:$0x3FB6] =	sst s0;
	s0 =	simm.s32 @!p1 $0x0  }
0x14: {  	s2 =	sld [smem:$0x3F9A];
	s0 =	simm.s32 @p1 $0x1  }
0x15: {  	[smem:$0x3FB7] =	sst s0;
	s0 =	simm.s32 @!p2 $0x0  }
0x16: {  	s3 =	sld [smem:$0x3FDB];
	s0 =	simm.s32 @p2 $0x1  }
0x17: {  	s4 =	simm.s32 $0x1BF5;
	[smem:$0x3FB9] =	sst s0  }
0x18: {  	s0 =	sld [smem:$0x3F9C];
	_ =	swait.ge [sflag:s4], $0x0  }
0x19: {  	s7 =	sld [smem:$0x3F9D]  }
0x1a: {  	s8 =	sadd.s32 $0xFFFFE003, lr  }
0x1b: {  	s9 =	sadd.s32 $0xFFFFFEF7, lr;
	s5 =	simm.s32 $0xFFFFFFFF;
	p2 =	slt.u32 s8, $0xFFFFF086  }
0x1c: {  	p1 =	slt.u32 s9, $0xF7A;
	s5 =	simm.s32 @!p2 $0x0  }
0x1d: {  	s5 =	simm.s32 @p1 $0x1;
	p0 =	seq.s32 s7, s2  }
0x1e: {  	s7 =	smul.u32 @!p0 $0xF7A, s2;
	p2 =	seq.s32 @!p0 s5, $0x0  }
0x1f: {  	s9 =	smul.u32 $0xF7A, s1;
	s8 =	simm.s32 @!p0 $0x1BF5;
	p2 =	por !p2, p0  }
0x20: {  	[sflag:s8] =	ssyncset.s32 @!p0 $0xFFFFF086;
	s6 =	sadd.s32 @!p0 s3, s7;
	s7 =	simm.s32 @!p0 $0x108  }
0x21: {  	s3 =	sadd.s32 s3, s9;
	s6 =	sadd.s32 @!p0 $0x88, s6;
	s7 =	simm.s32 @p2 $0x1082  }
0x22: {  	[simem:s7], [sflag:s8] =	dma.local @!p0 [hbm:s6], $0xF7A  }
0x23: {  	s9 =	sor.u32 $0xD0000000, s2;
	s6 =	simm.s32 $0x108;
	_ =	swait.ge @!p0 [sflag:s8], $0x0  }
0x24: {  	s3 =	sadd.s32 $0x88, s3;
	s6 =	simm.s32 @!p1 $0x1082;
	[sflag:s4] =	ssyncset.s32 $0xFFFFF086  }
0x25: {  	[simem:s6], [sflag:s4] =	dma.local [hbm:s3], $0xF7A  }
0x26: {  	[smem:$0x3F9D] =	sst s1;
	(tag) =	ssettag s2;
	_ =	strace s9  }
0x27: {  	s1 =	sld [smem:$0x3FAD]  }
0x28: {  	s2 =	sld [smem:$0x3FAE]  }
0x29: {  	s4 =	sld [smem:$0x3FB0]  }
0x2a: {  	p0 =	seq.s32 s5, $0x0;
	s5 =	sld [smem:$0x3FB1]  }
0x2b: {  	s6 =	sld [smem:$0x3FB2]  }
0x2c: {  	s7 =	sld [smem:$0x3FB3]  }
0x2d: {  	s3 =	simm.s32 $0x108;
	s8 =	sld [smem:$0x3FB4]  }
0x2e: {  	s3 =	simm.s32 @!p0 $0x1082;
	s9 =	sld [smem:$0x3FB5]  }
0x2f: {  	lr =	sadd.s32 s0, s3;
	s0 =	sld [smem:$0x3FAC]  }
0x30: {  	s3 =	sld [smem:$0x3FAF]  }
0x31: {  	[smem:$0x3FB8] =	sst s10  }
0x32: {  	s10 =	sld [smem:$0x3FB6];
	_ =	sdelay $0x3  }
0x33: {  	p0 =	seq.s32 s10, $0x1;
	s10 =	sld [smem:$0x3FB8];
	_ =	sdelay $0x3  }
0x34: {  	[smem:$0x3FB8] =	sst s10  }
0x35: {  	s10 =	sld [smem:$0x3FB7];
	_ =	sdelay $0x3  }
0x36: {  	p1 =	seq.s32 s10, $0x1;
	s10 =	sld [smem:$0x3FB8];
	_ =	sdelay $0x3  }
0x37: {  	[smem:$0x3FB8] =	sst s10  }
0x38: {  	s10 =	sld [smem:$0x3FB9]  }
0x39: {  	_ = 	snop;
	(pc) =	sbr.ind lr, $3  }
0x3a: {  	_ = 	snop  }
0x3b: {  	_ = 	snop  }
0x3c: {  	p2 =	seq.s32 s10, $0x1;
	s10 =	sld [smem:$0x3FB8]  }
0x3d: {  	_ =	shalt  }
0x3e: {  	_ =	shalt  }
0x3f: {  	_ =	shalt  }
0x40: {  	_ =	shalt  }
0x41: {  	_ =	shalt  }
0x42: {  	_ =	shalt  }
0x43: {  	_ =	shalt  }
0x44: {  	_ =	shalt  }
0x45: {  	_ =	shalt  }
0x46: {  	_ =	shalt  }
0x47: {  	_ =	shalt  }
0x48: {  	_ =	shalt  }
0x49: {  	_ =	shalt  }
0x4a: {  	_ =	shalt  }
0x4b: {  	_ =	shalt  }
0x4c: {  	_ =	shalt  }
0x4d: {  	_ =	shalt  }
0x4e: {  	_ =	shalt  }
0x4f: {  	_ =	shalt  }
0x50: {  	_ =	shalt  }
0x51: {  	_ =	shalt  }
0x52: {  	_ =	shalt  }
0x53: {  	_ =	shalt  }
0x54: {  	_ =	shalt  }
0x55: {  	_ =	shalt  }
0x56: {  	_ =	shalt  }
0x57: {  	_ =	shalt  }
0x58: {  	_ =	shalt  }
0x59: {  	_ =	shalt  }
0x5a: {  	_ =	shalt  }
0x5b: {  	_ =	shalt  }
0x5c: {  	_ =	shalt  }
0x5d: {  	_ =	shalt  }
0x5e: {  	_ =	shalt  }
0x5f: {  	_ =	shalt  }
0x60: {  	_ =	shalt  }
0x61: {  	_ =	shalt  }
0x62: {  	_ =	shalt  }
0x63: {  	_ =	shalt  }
0x64: {  	_ =	shalt  }
0x65: {  	_ =	shalt  }
0x66: {  	_ =	shalt  }
0x67: {  	_ =	shalt  }
0x68: {  	_ =	shalt  }
0x69: {  	_ =	shalt  }
0x6a: {  	_ =	shalt  }
0x6b: {  	_ =	shalt  }
0x6c: {  	_ =	shalt  }
0x6d: {  	_ =	shalt  }
0x6e: {  	_ =	shalt  }
0x6f: {  	_ =	shalt  }
0x70: {  	_ =	shalt  }
0x71: {  	_ =	shalt  }
0x72: {  	_ =	shalt  }
0x73: {  	_ =	shalt  }
0x74: {  	_ =	shalt  }
0x75: {  	_ =	shalt  }
0x76: {  	_ =	shalt  }
0x77: {  	_ =	shalt  }
0x78: {  	_ =	shalt  }
0x79: {  	_ =	shalt  }
0x7a: {  	_ =	shalt  }
0x7b: {  	_ =	shalt  }
0x7c: {  	_ =	shalt  }
0x7d: {  	_ =	shalt  }
0x7e: {  	_ =	shalt  }
0x7f: {  	_ =	shalt  }
0x80: {  	_ =	shalt  }
0x81: {  	_ =	shalt  }
0x82: {  	_ =	shalt  }
0x83: {  	_ =	shalt  }
0x84: {  	_ =	shalt  }
0x85: {  	_ =	shalt  }
0x86: {  	_ =	shalt  }
0x87: {  	_ =	shalt  }
.Lfunc_end0:
.L_simem_size_0:
called_computation_lowered:
.L_overlay_start_0:
0x88: {  	s2 =	sld [smem:$0x3FD9]  }
0x89: {  	s3 =	sld [smem:$0x3FFE];
	_ =	sdelay $0x1  }
0x8a: {  	s1 =	srdreg.scid  }
0x8b: {  	s0 =	sand.u32 $0x1, s1  }
0x8c: {  	s17 =	sshll.u32 s0, $0xA;
	s2 =	sadd.s32 s3, s2  }
0x8d: {  	s2 =	sadd.s32 s2, s17  }
0x8e: {  	[smem:$0x3FC4] =	sst s2  }
0x8f: {  	_ = 	snop  }
0x90: {  	s2 =	sld [smem:$0x3FC8];
	(tm) =	ssettm $0x1  }
0x91: {  	s18 =	sld [smem:$0x3FFB];
	_ =	sdelay $0x3  }
0x92: {  	_ =	strace s18  }
0x93: {  	s3 =	sld [smem:$0x3FFC];
	_ =	sdelay $0x3  }
0x94: {  	_ =	strace s3  }
0x95: {  	s3 =	sld [smem:$0x3FFD];
	_ =	sdelay $0x3  }
0x96: {  	_ =	strace s3  }
0x97: {  	_ =	strace $0x8FFFFFFF  }
0x98: {  	s19 =	sld [smem:$0x3FDB];
	_ =	sdelay $0x1  }
0x99: {  	s4 =	simm.s32 $_scs_section_size  }
0x9a: {  	s5 =	simm.s32 $_size__tile_overlayer_lowered;
	s6 =	simm.s32 $_tile_overlayer_lowered  }
0x9b: {  	s22 =	simm.s32 $0x1BFF;
	s21 =	sshll.u32 s6, $0x1;
	s3 =	sadd.s32 s4, s19  }
0x9c: {  	s7 =	simm.s32 $0x0;
	s20 =	sshll.u32 s5, $0x1;
	s5 =	sadd.s32 s21, s3  }
0x9d: {  	[timem:s7], [sflag:s22] =	dma.local [hbm:s5], s20  }
0x9e: {  	_ =	swait.ge [sflag:s22], s20  }
0x9f: {  	s4 =	ssub.s32 $0x0, s20;
	[sflag:s22] =	ssyncset.done $0x0  }
0xa0: {  	[sflag:s22] =	ssyncadd.s32 s4;
	_ =	sdelay $0x1  }
0xa1: {  	s23 =	simm.s32 $0x1B8B  }
0xa2: {  	_ =	swait.ge [sflag:s23], $0x1  }
0xa3: {  	[sflag:s23] =	ssyncset.done $0x0  }
0xa4: {  	s25 =	simm.s32 $0x1B8E;
	s24 =	sld [smem:$0x3FFE];
	[sflag:s23] =	ssyncadd.s32 $0xFFFFFFFF  }
0xa5: {  	s26 =	simm.s32 $execute0_lowered;
	[smem:$0x3FD2] =	sst s25  }
0xa6: {  	s5 =	sshll.u32 s26, $0x1;
	_ =	strace $0x80000046;
	[dreg:$0x1] =	wrdreg $0xFFFFFFFF  }
0xa7: {  	s28 =	simm.s32 $_size_execute0_lowered;
	s3 =	sadd.s32 s3, s5;
	[dreg:$0x0] =	wrdreg $0x0  }
0xa8: {  	s5 =	sshll.u32 s28, $0x1;
	[dreg:$0x2] =	wrdreg s3  }
0xa9: {  	[dreg:$0x3] =	wrdreg s5  }
0xaa: {  	[dreg:$0x4] =	wrdreg $0xC0  }
0xab: {  	_ =	task [dreg:s7], $0x5FFFF  }
0xac: {  	[dreg:$0x1] =	wrdreg $0xFFFFFFFF  }
0xad: {  	[dreg:$0x0] =	wrdreg $0x60  }
0xae: {  	[dreg:$0x2] =	wrdreg s24  }
0xaf: {  	[dreg:$0x3] =	wrdreg s2  }
0xb0: {  	[dreg:$0x4] =	wrdreg $0x9  }
0xb1: {  	_ =	task.clear_ibuf [dreg:s7], $0x5FFFF;
	_ =	strace $0x90000046  }
0xb2: {  	s29 =	simm.s32 $0x9;
	_ =	strace $0x80000048  }
0xb3: {  	_ =	swait.ge [sflag:s29], $0x1  }
0xb4: {  	[sflag:s29] =	ssyncadd.s32 $0xFFFFFFFF  }
0xb5: {  	_ =	strace $0x90000048  }
0xb6: {  	_ =	sfence  }
0xb7: {  	s30 =	sld [smem:$0x0];
	_ =	sdelay $0x2  }
0xb8: {  	s31 =	sshll.u32 s1, $0xD;
	s1 =	sshrl.u32 s1, $0x2  }
0xb9: {  	s3 =	sand.u32 $0x4000, s31;
	s1 =	sadd.s32 s1, s30  }
0xba: {  	s0 =	sor.u32 s3, s0;
	s1 =	sshll.u32 s1, $0x11  }
0xbb: {  	s0 =	sor.u32 s1, s0  }
0xbc: {  	s0 =	sadd.s32 $0x8F2B, s0  }
0xbd: {  	[sflag:s0] =	ssyncadd.remote.s32 $0x1  }
0xbe: {  	_ =	sfence.sel $0xFFFF  }
0xbf: {  	[dreg:$0x0] =	wrdreg $0xFFFFFFFF;
	(pc) =	sbr.abs _section_cstart, $3  }
0xc0: {  	[dreg:$0x1] =	wrdreg $0xFFFFFFFF  }
0xc1: {  	_ =	task.clear_ibuf [dreg:s7], $0x2FFFF;
	_ =	strace $0x9FFFFFFF  }
0xc2: {  	(tm) =	ssettm $0x7FFFFFFF  }
0xc3: {  	_ =	shalt  }
tec
execute0_lowered:
.L_overlay_start_1:
0x0: {  	(tag) =	ssettag $0x1  }
0x1: {  	s1 =	srdreg.scid  }
0x2: {  	s4 =	rddreg [dreg:$0x0];
	s0 =	stileid.u32;
	s11 =	sand.u32 $0x1, s1  }
0x3: {  	s2 =	rddreg [dreg:$0x1];
	s5 =	sshll.u32 s0, $0xA;
	s6 =	sshll.u32 s11, $0x9  }
0x4: {  	s3 =	simm.s32 $0x0;
	s1 =	rddreg [dreg:$0x2];
	s5 =	sor.u32 s6, s5  }
0x5: {  	[smem:$0x7FF] =	sst s3;
	s12 =	sadd.s32 s5, s4  }
0x6: {  	_ =	strace $0x80000047;
	s4 =	simm.s32 $0x3;
	s5 =	sadd.s32 $0xBC00, s12  }
0x7: {  	[tilespmem:s3], [sflag:$0x3] =	stream.linear.gather [hbm4b:s5+s3], $0x1000, $0x38;
	[tilespmem:$0x2000] =	vst v63  }
0x8: {  	_ =	swait.ge [sflag:s4], $0x1000  }
0x9: {  	[sflag:s4] =	ssyncset.done $0x0  }
0xa: {  	s7 =	simm.s32 $0x1000;
	s6 =	simm.s32 $0x800;
	[sflag:s4] =	ssyncadd.s32 $0xFFFFF000  }
0xb: {  	[tilespmem:s7], [sflag:$0x1] =	stream.indirect.gather [hbm4b:s2+s6], $0x1, s3, s6, $0xb8;
	[tilespmem:$0x2000] =	vst v63  }
0xc: {  	s8 =	simm.s32 $0x1800;
	s9 =	simm.s32 $0x1  }
0xd: {  	[tilespmem:s8], [sflag:$0x2] =	stream.indirect.gather [hbm4b:s2+s6], $0x1, s6, s6, $0xb8;
	[tilespmem:$0x2000] =	vst v63  }
0xe: {  	_ =	swait.ge [sflag:s9], $0x800  }
0xf: {  	[sflag:s9] =	ssyncset.done $0x0  }
0x10: {  	s13 =	ssub.s32 $0x2, s11;
	s10 =	sadd.s32 $0x13C00, s12;
	[sflag:s9] =	ssyncadd.s32 $0xFFFFF800  }
0x11: {  	[hbm4b:s10+s3] =	stream.linear.scatter [tilespmem:s7], [sflag:$0x3], $0x800, $0x38;
	[tilespmem:$0x2000] =	vst v63  }
0x12: {  	s14 =	sshrl.u32 s13, $0x1;
	_ =	swait.ge [sflag:s4], $0x800  }
0x13: {  	s13 =	ssub.s32 s13, s14;
	[sflag:s4] =	ssyncset.done $0x0  }
0x14: {  	s11 =	simm.s32 $0x2;
	s13 =	smax.u32 s13, $0x1;
	[sflag:s4] =	ssyncadd.s32 $0xFFFFF800  }
0x15: {  	p0 =	sne.s32 s13, $0x1;
	_ =	swait.ge [sflag:s11], $0x800  }
.Ltmp0:
0x16: {  	[sflag:s11] =	ssyncset.done $0x0;
	(pc) =	sbr.rel @!p0 .LBB2_2-.Ltmp0, $4  }
0x17: {  	s12 =	sadd.s32 $0x13D00, s12;
	[sflag:s11] =	ssyncadd.s32 $0xFFFFF800  }
0x18: {  	[hbm4b:s12+s3] =	stream.linear.scatter [tilespmem:s8], [sflag:$0x3], $0x800, $0x38;
	[tilespmem:$0x2000] =	vst v63  }
0x19: {  	_ =	swait.ge [sflag:s4], $0x800  }
0x1a: {  	s13 =	sadd.s32 $0xFFFFFFFF, s13;
	[sflag:s4] =	ssyncset.done $0x0  }
.LBB2_1:
0x1b: {  	p0 =	sne.s32 s13, $0x1;
	s13 =	sadd.s32 $0xFFFFFFFF, s13;
	[sflag:s4] =	ssyncadd.s32 $0xFFFFF800  }
0x1c: {  	[tilespmem:s3], [sflag:$0x3] =	stream.linear.gather [hbm4b:s5+s3], $0x1000, $0x38;
	[tilespmem:$0x2000] =	vst v63  }
0x1d: {  	_ =	swait.ge [sflag:s4], $0x1000  }
0x1e: {  	[sflag:s4] =	ssyncset.done $0x0  }
0x1f: {  	[sflag:s4] =	ssyncadd.s32 $0xFFFFF000  }
0x20: {  	[tilespmem:s7], [sflag:$0x1] =	stream.indirect.gather [hbm4b:s2+s6], $0x1, s3, s6, $0xb8;
	[tilespmem:$0x2000] =	vst v63  }
0x21: {  	_ = 	snop  }
0x22: {  	[tilespmem:s8], [sflag:$0x2] =	stream.indirect.gather [hbm4b:s2+s6], $0x1, s6, s6, $0xb8;
	[tilespmem:$0x2000] =	vst v63  }
0x23: {  	_ =	swait.ge [sflag:s9], $0x800  }
0x24: {  	[sflag:s9] =	ssyncset.done $0x0  }
0x25: {  	[sflag:s9] =	ssyncadd.s32 $0xFFFFF800  }
0x26: {  	[hbm4b:s10+s3] =	stream.linear.scatter [tilespmem:s7], [sflag:$0x3], $0x800, $0x38;
	[tilespmem:$0x2000] =	vst v63  }
0x27: {  	_ =	swait.ge [sflag:s4], $0x800  }
0x28: {  	[sflag:s4] =	ssyncset.done $0x0  }
0x29: {  	[sflag:s4] =	ssyncadd.s32 $0xFFFFF800  }
0x2a: {  	_ =	swait.ge [sflag:s11], $0x800  }
.Ltmp1:
0x2b: {  	[sflag:s11] =	ssyncset.done $0x0;
	(pc) =	sbr.rel @p0 .LBB2_1-.Ltmp1, $4  }
0x2c: {  	[sflag:s11] =	ssyncadd.s32 $0xFFFFF800  }
0x2d: {  	[hbm4b:s12+s3] =	stream.linear.scatter [tilespmem:s8], [sflag:$0x3], $0x800, $0x38;
	[tilespmem:$0x2000] =	vst v63  }
0x2e: {  	_ =	swait.ge [sflag:s4], $0x800  }
0x2f: {  	[sflag:s4] =	ssyncset.done $0x0  }
.LBB2_2:
0x30: {  	[sflag:s4] =	ssyncadd.s32 $0xFFFFF800  }
0x31: {  	_ =	sfence.sel $0x180000  }
0x32: {  	[bflag:$0x0] =	sbarrier.arrive $0xFFFF  }
0x33: {  	p0 =	sne.s32 s0, $0x0;
	_ =	strace $0x90000047  }
0x34: {  	s0 =	sadd.s32 @!p0 $0x100000, s1;
	[bflag:$0x2] =	sbarrier.arrive $0xFFFF  }
0x35: {  	[sflag:s0] =	ssyncadd.tile.s32 @!p0 $0x1;
	_ =	shalt  }
.Lfunc_end2:
_tile_overlayer_lowered:
.L_overlay_start_2:
0x36: {  	(tag) =	ssettag $0x2  }
0x37: {  	s0 =	rddreg [dreg:$0x0];
	s2 =	stileid.u32  }
0x38: {  	s1 =	rddreg [dreg:$0x1];
	p0 =	sne.s32 s2, $0x0  }
0x39: {  	s3 =	rddreg [dreg:$0x2];
	[bflag:$0x3] =	sbarrier.arrive $0xFFFF;
	s2 =	simm.s32 @!p0 $0x1C03  }
0x3a: {  	[timem:s3], [sflag:s2] =	dma.local @!p0 [hbm:s0], s1  }
0x3b: {  	s0 =	simm.s32 @!p0 $0x3  }
0x3c: {  	_ =	swait.ge @!p0 [sflag:s0], s1  }
0x3d: {  	s1 =	ssub.s32 @!p0 $0x0, s1;
	[sflag:s0] =	ssyncset.done @!p0 $0x0  }
0x3e: {  	[sflag:s0] =	ssyncadd.s32 @!p0 s1  }
0x3f: {  	[bflag:$0x3] =	sbarrier.arrive $0xFFFF  }
0x40: {  	_ =	shalt  }

</sc_bundles>
